<compile_context>
chip_gen: v7x
topology: tpu7x:2x2x1
jax: 0.10.2.dev20260603
libtpu: 0.0.44.dev20260713+nightly
codegen_flags: <defaults>
</compile_context>

<pallas_src>
import functools

import jax
import jax.numpy as jnp
from jax import lax
from jax.experimental import pallas as pl
from jax.experimental.pallas import tpu as pltpu
from jax.experimental.pallas import tpu_sc as plsc

_DIM = 128
_NC = 2
_NS = 16
_NW = _NC * _NS
_CHUNK = 128
_TC_CH = 2048


def _sc_gather_fn(b):
    e_rows_w = 4 * b // _NW
    r_rows_w = 2 * b // _NW
    rows_w = e_rows_w + r_rows_w
    e_chunks = e_rows_w // _CHUNK
    r_chunks = r_rows_w // _CHUNK
    mesh = plsc.VectorSubcoreMesh(core_axis_name="c", subcore_axis_name="s")

    @functools.partial(
        pl.kernel,
        out_type=jax.ShapeDtypeStruct((_NW * rows_w, _DIM), jnp.float32),
        mesh=mesh,
        scratch_types=[
            pltpu.VMEM((rows_w,), jnp.int32),
            pltpu.VMEM((rows_w, _DIM), jnp.float32),
            pltpu.SemaphoreType.DMA,
            pltpu.SemaphoreType.DMA,
        ],
    )
    def gather(ent_hbm, rel_hbm, idx_hbm, out_hbm, idx_v, rows_v, gsem, osem):
        wid = lax.axis_index("s") * _NC + lax.axis_index("c")
        pltpu.sync_copy(idx_hbm.at[pl.ds(wid * rows_w, rows_w)], idx_v)
        gathers = []
        for j in range(e_chunks):
            gathers.append(pltpu.async_copy(
                ent_hbm.at[idx_v.at[pl.ds(j * _CHUNK, _CHUNK)]],
                rows_v.at[pl.ds(j * _CHUNK, _CHUNK)], gsem))
        for j in range(r_chunks):
            gathers.append(pltpu.async_copy(
                rel_hbm.at[idx_v.at[pl.ds((e_chunks + j) * _CHUNK, _CHUNK)]],
                rows_v.at[pl.ds((e_chunks + j) * _CHUNK, _CHUNK)], gsem))
        for g in gathers:
            g.wait()
        pltpu.async_copy(
            rows_v, out_hbm.at[pl.ds(wid * rows_w, rows_w)], osem).wait()

    return gather


def _unit(x):
    s = jnp.sum(x * x, axis=1)
    inv = lax.rsqrt(jnp.maximum(s, 1e-24))
    return x * inv[:, None]


def _tc_loss_fn(scale, ch):
    def _tc_loss(hp_ref, tp_ref, hn_ref, tn_ref, rp_ref, rn_ref, out_ref):
        i = pl.program_id(0)
        hp = hp_ref[...].reshape(ch, _DIM)
        tp = tp_ref[...].reshape(ch, _DIM)
        hn = hn_ref[...].reshape(ch, _DIM)
        tn = tn_ref[...].reshape(ch, _DIM)
        rp = rp_ref[...].reshape(ch, _DIM)
        rn = rn_ref[...].reshape(ch, _DIM)
        dp = _unit(hp) + _unit(rp) - _unit(tp)
        dn = _unit(hn) + _unit(rn) - _unit(tn)
        sp = jnp.maximum(jnp.sum(dp * dp, axis=1), 1e-30)
        sn = jnp.maximum(jnp.sum(dn * dn, axis=1), 1e-30)
        ep = sp * lax.rsqrt(sp)
        en = sn * lax.rsqrt(sn)
        part = jnp.sum(jnp.maximum(1.0 + ep - en, 0.0))

        @pl.when(i == 0)
        def _():
            out_ref[...] = jnp.zeros((1, 1), jnp.float32)

        out_ref[...] += part.reshape(1, 1)

        @pl.when(i == pl.num_programs(0) - 1)
        def _():
            out_ref[...] *= scale

    return _tc_loss


@jax.jit
def kernel(pos_triples, neg_triples, ent_emb, rel_emb):
    b = pos_triples.shape[0]
    e_rows_w = 4 * b // _NW
    r_rows_w = 2 * b // _NW
    rows_w = e_rows_w + r_rows_w
    n_slots = rows_w // _CHUNK

    idx_ent = jnp.concatenate([
        pos_triples[:, 0], pos_triples[:, 2],
        neg_triples[:, 0], neg_triples[:, 2],
    ])
    idx_rel = jnp.concatenate([
        pos_triples[:, 1], neg_triples[:, 1],
    ])
    idx_all = jnp.concatenate([
        idx_ent.reshape(_NW, e_rows_w),
        idx_rel.reshape(_NW, r_rows_w),
    ], axis=1).reshape(-1)

    rows = _sc_gather_fn(b)(ent_emb, rel_emb, idx_all)
    rows4 = rows.reshape(_NW, n_slots, _CHUNK, _DIM)

    ew = _TC_CH // e_rows_w
    rw = _TC_CH // r_rows_w
    nsteps = b // _TC_CH
    e_chunks = e_rows_w // _CHUNK
    r_chunks = r_rows_w // _CHUNK

    def espec(seg):
        return pl.BlockSpec(
            (ew, e_chunks, _CHUNK, _DIM),
            lambda i, seg=seg: (seg * nsteps + i, 0, 0, 0))

    def rspec(seg):
        return pl.BlockSpec(
            (rw, r_chunks, _CHUNK, _DIM),
            lambda i, seg=seg: (seg * nsteps + i, e_chunks // r_chunks,
                                0, 0))

    out = pl.pallas_call(
        _tc_loss_fn(1.0 / b, _TC_CH),
        grid=(nsteps,),
        in_specs=[espec(0), espec(1), espec(2), espec(3),
                  rspec(0), rspec(1)],
        out_specs=pl.BlockSpec((1, 1), lambda i: (0, 0)),
        out_shape=jax.ShapeDtypeStruct((1, 1), jnp.float32),
    )(rows4, rows4, rows4, rows4, rows4, rows4)
    return out[0, 0]

# --- scband reference (transcript-rebuilt; emitter-appended) ---
"""Pipeline reference for scband-trans-e-19670950216597 (READ-ONLY COPY).

The authoritative reference and input builder live on the scoring server;
editing this copy changes nothing except your own understanding.
"""

import jax, jax.numpy as jnp
import numpy as np

NUM_ENTITIES = 100000
NUM_RELATIONS = 100000
DIM = 128
BATCH = 4096
MARGIN = 1.0


def _normalize(x, eps=1e-12):
    n = jnp.sqrt(jnp.sum(x * x, axis=-1, keepdims=True))
    return x / jnp.maximum(n, eps)


def _energy(triples, ent_emb, rel_emb):
    head = triples[:, 0:1]
    rel = triples[:, 1:2]
    tail = triples[:, 2:3]
    h = _normalize(jnp.take(ent_emb, head, axis=0))
    r = _normalize(jnp.take(rel_emb, rel, axis=0))
    t = _normalize(jnp.take(ent_emb, tail, axis=0))
    d = h + r - t
    return jnp.sqrt(jnp.sum(d * d, axis=-1))


def setup_inputs(seed: int = 0) -> dict:
    key = jax.random.key(seed)
    k1, k2, k3, k4 = jax.random.split(key, 4)
    pos_triples = jax.random.randint(k1, (BATCH, 3), 0, NUM_ENTITIES, dtype=jnp.int32)
    neg_triples = jax.random.randint(k2, (BATCH, 3), 0, NUM_ENTITIES, dtype=jnp.int32)
    # kaiming_uniform_ with linear nonlinearity: bound = sqrt(3) * sqrt(1/fan_in), fan_in = dim
    bound = float(np.sqrt(3.0) * np.sqrt(1.0 / DIM))
    ent_emb = jax.random.uniform(k3, (NUM_ENTITIES, DIM), minval=-bound, maxval=bound, dtype=jnp.float32)
    rel_emb = jax.random.uniform(k4, (NUM_RELATIONS, DIM), minval=-bound, maxval=bound, dtype=jnp.float32)
    return {"pos_triples": pos_triples, "neg_triples": neg_triples, "ent_emb": ent_emb, "rel_emb": rel_emb}


def reference(pos_triples, neg_triples, ent_emb, rel_emb):
    pos_energy = _energy(pos_triples, ent_emb, rel_emb)
    neg_energy = _energy(neg_triples, ent_emb, rel_emb)
    loss = MARGIN + pos_energy - neg_energy
    loss = jnp.where(loss < 0, jnp.zeros_like(loss), loss)
    return jnp.mean(loss)

if __name__ == "__main__":
    import jax
    _d = setup_inputs()
    print(jax.jit(kernel)(*tuple(_d.values())))

</pallas_src>

<mosaic_0001>
#map = affine_map<(d0, d1) -> (0, 0)>
#map1 = affine_map<(d0, d1) -> (0)>
module attributes {stable_mosaic.version = 14 : i64} {
  func.func @gather(%arg0: i32, %arg1: i32, %arg2: memref<100000x128xf32, #tpu.memory_space<hbm>>, %arg3: memref<100000x128xf32, #tpu.memory_space<hbm>>, %arg4: memref<24576xi32, #tpu.memory_space<hbm>>, %arg5: memref<24576x128xf32, #tpu.memory_space<hbm>>, %arg6: memref<768xi32, #tpu.memory_space<vmem>>, %arg7: memref<768x128xf32, #tpu.memory_space<vmem>>, %arg8: memref<!tpu.dma_semaphore, #tpu.memory_space<semaphore_mem>>, %arg9: memref<!tpu.dma_semaphore, #tpu.memory_space<semaphore_mem>>) attributes {dimension_semantics = [#tpu.dimension_semantics<core_parallel>, #tpu.dimension_semantics<subcore_parallel>], iteration_bounds = array<i64: 2, 16>, scalar_prefetch = 0 : i64, scratch_operands = 4 : i64, tpu.core_type = #tpu.core_type<sc_vector_subcore>, window_params = [{transform_indices = #map}, {transform_indices = #map}, {transform_indices = #map1}, {transform_indices = #map}]} {
    %mul3A = arith.constant 2 : i32
    %mul3A_0 = arith.muli %arg1, %mul3A : i32
    %add3A = arith.addi %mul3A_0, %arg0 : i32
    %mul3A_1 = arith.constant 768 : i32
    %mul3A_2 = arith.muli %add3A, %mul3A_1 : i32
    "tpu.region"() ({
      %run_scoped3A = tpu.sem_alloc : memref<!tpu.dma_semaphore, #tpu.memory_space<semaphore_mem>>
      %dma_start3A_107 = tpu.memref_slice %arg4[%mul3A_2] : memref<24576xi32, #tpu.memory_space<hbm>> -> memref<768xi32, #tpu.memory_space<hbm>>
      %dma_start3A_108 = tpu.memref_slice %arg4[%mul3A_2] : memref<24576xi32, #tpu.memory_space<hbm>> -> memref<768xi32, #tpu.memory_space<hbm>>
      tpu.enqueue_dma source(%dma_start3A_108 : memref<768xi32, #tpu.memory_space<hbm>>) target(%arg6 : memref<768xi32, #tpu.memory_space<vmem>>) target_semaphore(%run_scoped3A : memref<!tpu.dma_semaphore, #tpu.memory_space<semaphore_mem>>)
      %dma_wait3A_109 = tpu.memref_slice %arg4[%mul3A_2] : memref<24576xi32, #tpu.memory_space<hbm>> -> memref<768xi32, #tpu.memory_space<hbm>>
      %dma_wait3A_110 = tpu.memref_slice %arg4[%mul3A_2] : memref<24576xi32, #tpu.memory_space<hbm>> -> memref<768xi32, #tpu.memory_space<hbm>>
      tpu.wait_dma2 semaphore(%run_scoped3A : memref<!tpu.dma_semaphore, #tpu.memory_space<semaphore_mem>>) src(%dma_wait3A_110 : memref<768xi32, #tpu.memory_space<hbm>>) dst(%arg6 : memref<768xi32, #tpu.memory_space<vmem>>)
      tpu.yield
    }) : () -> ()
    %dma_start3A = arith.constant 0 : i32
    %dma_start3A_3 = arith.constant 0 : i32
    %dma_start3A_4 = tpu.memref_slice %arg7[%dma_start3A, %dma_start3A_3] : memref<768x128xf32, #tpu.memory_space<vmem>> -> memref<128x128xf32, #tpu.memory_space<vmem>>
    %dma_start3A_5 = arith.constant 0 : i32
    %dma_start3A_6 = tpu.memref_slice %arg6[%dma_start3A_5] : memref<768xi32, #tpu.memory_space<vmem>> -> memref<128xi32, #tpu.memory_space<vmem>>
    %dma_start3A_7 = arith.constant 0 : i32
    %dma_start3A_8 = arith.constant 0 : i32
    %dma_start3A_9 = tpu.memref_slice %arg2[%dma_start3A_7, %dma_start3A_8] : memref<100000x128xf32, #tpu.memory_space<hbm>> -> memref<100000x128xf32, #tpu.memory_space<hbm>>
    tpu.enqueue_indirect_dma source(%dma_start3A_9 : memref<100000x128xf32, #tpu.memory_space<hbm>>) target(%dma_start3A_4 : memref<128x128xf32, #tpu.memory_space<vmem>>) offsets(%dma_start3A_6 : memref<128xi32, #tpu.memory_space<vmem>>) semaphore(%arg8 : memref<!tpu.dma_semaphore, #tpu.memory_space<semaphore_mem>>)
    %dma_start3A_10 = arith.constant 128 : i32
    %dma_start3A_11 = arith.constant 0 : i32
    %dma_start3A_12 = tpu.memref_slice %arg7[%dma_start3A_10, %dma_start3A_11] : memref<768x128xf32, #tpu.memory_space<vmem>> -> memref<128x128xf32, #tpu.memory_space<vmem>>
    %dma_start3A_13 = arith.constant 128 : i32
    %dma_start3A_14 = tpu.memref_slice %arg6[%dma_start3A_13] : memref<768xi32, #tpu.memory_space<vmem>> -> memref<128xi32, #tpu.memory_space<vmem>>
    %dma_start3A_15 = arith.constant 0 : i32
    %dma_start3A_16 = arith.constant 0 : i32
    %dma_start3A_17 = tpu.memref_slice %arg2[%dma_start3A_15, %dma_start3A_16] : memref<100000x128xf32, #tpu.memory_space<hbm>> -> memref<100000x128xf32, #tpu.memory_space<hbm>>
    tpu.enqueue_indirect_dma source(%dma_start3A_17 : memref<100000x128xf32, #tpu.memory_space<hbm>>) target(%dma_start3A_12 : memref<128x128xf32, #tpu.memory_space<vmem>>) offsets(%dma_start3A_14 : memref<128xi32, #tpu.memory_space<vmem>>) semaphore(%arg8 : memref<!tpu.dma_semaphore, #tpu.memory_space<semaphore_mem>>)
    %dma_start3A_18 = arith.constant 256 : i32
    %dma_start3A_19 = arith.constant 0 : i32
    %dma_start3A_20 = tpu.memref_slice %arg7[%dma_start3A_18, %dma_start3A_19] : memref<768x128xf32, #tpu.memory_space<vmem>> -> memref<128x128xf32, #tpu.memory_space<vmem>>
    %dma_start3A_21 = arith.constant 256 : i32
    %dma_start3A_22 = tpu.memref_slice %arg6[%dma_start3A_21] : memref<768xi32, #tpu.memory_space<vmem>> -> memref<128xi32, #tpu.memory_space<vmem>>
    %dma_start3A_23 = arith.constant 0 : i32
    %dma_start3A_24 = arith.constant 0 : i32
    %dma_start3A_25 = tpu.memref_slice %arg2[%dma_start3A_23, %dma_start3A_24] : memref<100000x128xf32, #tpu.memory_space<hbm>> -> memref<100000x128xf32, #tpu.memory_space<hbm>>
    tpu.enqueue_indirect_dma source(%dma_start3A_25 : memref<100000x128xf32, #tpu.memory_space<hbm>>) target(%dma_start3A_20 : memref<128x128xf32, #tpu.memory_space<vmem>>) offsets(%dma_start3A_22 : memref<128xi32, #tpu.memory_space<vmem>>) semaphore(%arg8 : memref<!tpu.dma_semaphore, #tpu.memory_space<semaphore_mem>>)
    %dma_start3A_26 = arith.constant 384 : i32
    %dma_start3A_27 = arith.constant 0 : i32
    %dma_start3A_28 = tpu.memref_slice %arg7[%dma_start3A_26, %dma_start3A_27] : memref<768x128xf32, #tpu.memory_space<vmem>> -> memref<128x128xf32, #tpu.memory_space<vmem>>
    %dma_start3A_29 = arith.constant 384 : i32
    %dma_start3A_30 = tpu.memref_slice %arg6[%dma_start3A_29] : memref<768xi32, #tpu.memory_space<vmem>> -> memref<128xi32, #tpu.memory_space<vmem>>
    %dma_start3A_31 = arith.constant 0 : i32
    %dma_start3A_32 = arith.constant 0 : i32
    %dma_start3A_33 = tpu.memref_slice %arg2[%dma_start3A_31, %dma_start3A_32] : memref<100000x128xf32, #tpu.memory_space<hbm>> -> memref<100000x128xf32, #tpu.memory_space<hbm>>
    tpu.enqueue_indirect_dma source(%dma_start3A_33 : memref<100000x128xf32, #tpu.memory_space<hbm>>) target(%dma_start3A_28 : memref<128x128xf32, #tpu.memory_space<vmem>>) offsets(%dma_start3A_30 : memref<128xi32, #tpu.memory_space<vmem>>) semaphore(%arg8 : memref<!tpu.dma_semaphore, #tpu.memory_space<semaphore_mem>>)
    %dma_start3A_34 = arith.constant 512 : i32
    %dma_start3A_35 = arith.constant 0 : i32
    %dma_start3A_36 = tpu.memref_slice %arg7[%dma_start3A_34, %dma_start3A_35] : memref<768x128xf32, #tpu.memory_space<vmem>> -> memref<128x128xf32, #tpu.memory_space<vmem>>
    %dma_start3A_37 = arith.constant 512 : i32
    %dma_start3A_38 = tpu.memref_slice %arg6[%dma_start3A_37] : memref<768xi32, #tpu.memory_space<vmem>> -> memref<128xi32, #tpu.memory_space<vmem>>
    %dma_start3A_39 = arith.constant 0 : i32
    %dma_start3A_40 = arith.constant 0 : i32
    %dma_start3A_41 = tpu.memref_slice %arg3[%dma_start3A_39, %dma_start3A_40] : memref<100000x128xf32, #tpu.memory_space<hbm>> -> memref<100000x128xf32, #tpu.memory_space<hbm>>
    tpu.enqueue_indirect_dma source(%dma_start3A_41 : memref<100000x128xf32, #tpu.memory_space<hbm>>) target(%dma_start3A_36 : memref<128x128xf32, #tpu.memory_space<vmem>>) offsets(%dma_start3A_38 : memref<128xi32, #tpu.memory_space<vmem>>) semaphore(%arg8 : memref<!tpu.dma_semaphore, #tpu.memory_space<semaphore_mem>>)
    %dma_start3A_42 = arith.constant 640 : i32
    %dma_start3A_43 = arith.constant 0 : i32
    %dma_start3A_44 = tpu.memref_slice %arg7[%dma_start3A_42, %dma_start3A_43] : memref<768x128xf32, #tpu.memory_space<vmem>> -> memref<128x128xf32, #tpu.memory_space<vmem>>
    %dma_start3A_45 = arith.constant 640 : i32
    %dma_start3A_46 = tpu.memref_slice %arg6[%dma_start3A_45] : memref<768xi32, #tpu.memory_space<vmem>> -> memref<128xi32, #tpu.memory_space<vmem>>
    %dma_start3A_47 = arith.constant 0 : i32
    %dma_start3A_48 = arith.constant 0 : i32
    %dma_start3A_49 = tpu.memref_slice %arg3[%dma_start3A_47, %dma_start3A_48] : memref<100000x128xf32, #tpu.memory_space<hbm>> -> memref<100000x128xf32, #tpu.memory_space<hbm>>
    tpu.enqueue_indirect_dma source(%dma_start3A_49 : memref<100000x128xf32, #tpu.memory_space<hbm>>) target(%dma_start3A_44 : memref<128x128xf32, #tpu.memory_space<vmem>>) offsets(%dma_start3A_46 : memref<128xi32, #tpu.memory_space<vmem>>) semaphore(%arg8 : memref<!tpu.dma_semaphore, #tpu.memory_space<semaphore_mem>>)
    %dma_wait3A = arith.constant 0 : i32
    %dma_wait3A_50 = arith.constant 0 : i32
    %dma_wait3A_51 = tpu.memref_slice %arg7[%dma_wait3A, %dma_wait3A_50] : memref<768x128xf32, #tpu.memory_space<vmem>> -> memref<128x128xf32, #tpu.memory_space<vmem>>
    %dma_wait3A_52 = arith.constant 0 : i32
    %dma_wait3A_53 = tpu.memref_slice %arg6[%dma_wait3A_52] : memref<768xi32, #tpu.memory_space<vmem>> -> memref<128xi32, #tpu.memory_space<vmem>>
    %dma_wait3A_54 = arith.constant 0 : i32
    %dma_wait3A_55 = arith.constant 0 : i32
    %dma_wait3A_56 = tpu.memref_slice %arg2[%dma_wait3A_54, %dma_wait3A_55] : memref<100000x128xf32, #tpu.memory_space<hbm>> -> memref<100000x128xf32, #tpu.memory_space<hbm>>
    tpu.wait_indirect_dma semaphore(%arg8 : memref<!tpu.dma_semaphore, #tpu.memory_space<semaphore_mem>>) src(%dma_wait3A_56 : memref<100000x128xf32, #tpu.memory_space<hbm>>) dst(%dma_wait3A_51 : memref<128x128xf32, #tpu.memory_space<vmem>>)
    %dma_wait3A_57 = arith.constant 128 : i32
    %dma_wait3A_58 = arith.constant 0 : i32
    %dma_wait3A_59 = tpu.memref_slice %arg7[%dma_wait3A_57, %dma_wait3A_58] : memref<768x128xf32, #tpu.memory_space<vmem>> -> memref<128x128xf32, #tpu.memory_space<vmem>>
    %dma_wait3A_60 = arith.constant 128 : i32
    %dma_wait3A_61 = tpu.memref_slice %arg6[%dma_wait3A_60] : memref<768xi32, #tpu.memory_space<vmem>> -> memref<128xi32, #tpu.memory_space<vmem>>
    %dma_wait3A_62 = arith.constant 0 : i32
    %dma_wait3A_63 = arith.constant 0 : i32
    %dma_wait3A_64 = tpu.memref_slice %arg2[%dma_wait3A_62, %dma_wait3A_63] : memref<100000x128xf32, #tpu.memory_space<hbm>> -> memref<100000x128xf32, #tpu.memory_space<hbm>>
    tpu.wait_indirect_dma semaphore(%arg8 : memref<!tpu.dma_semaphore, #tpu.memory_space<semaphore_mem>>) src(%dma_wait3A_64 : memref<100000x128xf32, #tpu.memory_space<hbm>>) dst(%dma_wait3A_59 : memref<128x128xf32, #tpu.memory_space<vmem>>)
    %dma_wait3A_65 = arith.constant 256 : i32
    %dma_wait3A_66 = arith.constant 0 : i32
    %dma_wait3A_67 = tpu.memref_slice %arg7[%dma_wait3A_65, %dma_wait3A_66] : memref<768x128xf32, #tpu.memory_space<vmem>> -> memref<128x128xf32, #tpu.memory_space<vmem>>
    %dma_wait3A_68 = arith.constant 256 : i32
    %dma_wait3A_69 = tpu.memref_slice %arg6[%dma_wait3A_68] : memref<768xi32, #tpu.memory_space<vmem>> -> memref<128xi32, #tpu.memory_space<vmem>>
    %dma_wait3A_70 = arith.constant 0 : i32
    %dma_wait3A_71 = arith.constant 0 : i32
    %dma_wait3A_72 = tpu.memref_slice %arg2[%dma_wait3A_70, %dma_wait3A_71] : memref<100000x128xf32, #tpu.memory_space<hbm>> -> memref<100000x128xf32, #tpu.memory_space<hbm>>
    tpu.wait_indirect_dma semaphore(%arg8 : memref<!tpu.dma_semaphore, #tpu.memory_space<semaphore_mem>>) src(%dma_wait3A_72 : memref<100000x128xf32, #tpu.memory_space<hbm>>) dst(%dma_wait3A_67 : memref<128x128xf32, #tpu.memory_space<vmem>>)
    %dma_wait3A_73 = arith.constant 384 : i32
    %dma_wait3A_74 = arith.constant 0 : i32
    %dma_wait3A_75 = tpu.memref_slice %arg7[%dma_wait3A_73, %dma_wait3A_74] : memref<768x128xf32, #tpu.memory_space<vmem>> -> memref<128x128xf32, #tpu.memory_space<vmem>>
    %dma_wait3A_76 = arith.constant 384 : i32
    %dma_wait3A_77 = tpu.memref_slice %arg6[%dma_wait3A_76] : memref<768xi32, #tpu.memory_space<vmem>> -> memref<128xi32, #tpu.memory_space<vmem>>
    %dma_wait3A_78 = arith.constant 0 : i32
    %dma_wait3A_79 = arith.constant 0 : i32
    %dma_wait3A_80 = tpu.memref_slice %arg2[%dma_wait3A_78, %dma_wait3A_79] : memref<100000x128xf32, #tpu.memory_space<hbm>> -> memref<100000x128xf32, #tpu.memory_space<hbm>>
    tpu.wait_indirect_dma semaphore(%arg8 : memref<!tpu.dma_semaphore, #tpu.memory_space<semaphore_mem>>) src(%dma_wait3A_80 : memref<100000x128xf32, #tpu.memory_space<hbm>>) dst(%dma_wait3A_75 : memref<128x128xf32, #tpu.memory_space<vmem>>)
    %dma_wait3A_81 = arith.constant 512 : i32
    %dma_wait3A_82 = arith.constant 0 : i32
    %dma_wait3A_83 = tpu.memref_slice %arg7[%dma_wait3A_81, %dma_wait3A_82] : memref<768x128xf32, #tpu.memory_space<vmem>> -> memref<128x128xf32, #tpu.memory_space<vmem>>
    %dma_wait3A_84 = arith.constant 512 : i32
    %dma_wait3A_85 = tpu.memref_slice %arg6[%dma_wait3A_84] : memref<768xi32, #tpu.memory_space<vmem>> -> memref<128xi32, #tpu.memory_space<vmem>>
    %dma_wait3A_86 = arith.constant 0 : i32
    %dma_wait3A_87 = arith.constant 0 : i32
    %dma_wait3A_88 = tpu.memref_slice %arg3[%dma_wait3A_86, %dma_wait3A_87] : memref<100000x128xf32, #tpu.memory_space<hbm>> -> memref<100000x128xf32, #tpu.memory_space<hbm>>
    tpu.wait_indirect_dma semaphore(%arg8 : memref<!tpu.dma_semaphore, #tpu.memory_space<semaphore_mem>>) src(%dma_wait3A_88 : memref<100000x128xf32, #tpu.memory_space<hbm>>) dst(%dma_wait3A_83 : memref<128x128xf32, #tpu.memory_space<vmem>>)
    %dma_wait3A_89 = arith.constant 640 : i32
    %dma_wait3A_90 = arith.constant 0 : i32
    %dma_wait3A_91 = tpu.memref_slice %arg7[%dma_wait3A_89, %dma_wait3A_90] : memref<768x128xf32, #tpu.memory_space<vmem>> -> memref<128x128xf32, #tpu.memory_space<vmem>>
    %dma_wait3A_92 = arith.constant 640 : i32
    %dma_wait3A_93 = tpu.memref_slice %arg6[%dma_wait3A_92] : memref<768xi32, #tpu.memory_space<vmem>> -> memref<128xi32, #tpu.memory_space<vmem>>
    %dma_wait3A_94 = arith.constant 0 : i32
    %dma_wait3A_95 = arith.constant 0 : i32
    %dma_wait3A_96 = tpu.memref_slice %arg3[%dma_wait3A_94, %dma_wait3A_95] : memref<100000x128xf32, #tpu.memory_space<hbm>> -> memref<100000x128xf32, #tpu.memory_space<hbm>>
    tpu.wait_indirect_dma semaphore(%arg8 : memref<!tpu.dma_semaphore, #tpu.memory_space<semaphore_mem>>) src(%dma_wait3A_96 : memref<100000x128xf32, #tpu.memory_space<hbm>>) dst(%dma_wait3A_91 : memref<128x128xf32, #tpu.memory_space<vmem>>)
    %mul3A_97 = arith.constant 768 : i32
    %mul3A_98 = arith.muli %add3A, %mul3A_97 : i32
    %dma_start3A_99 = arith.constant 0 : i32
    %dma_start3A_100 = tpu.memref_slice %arg5[%mul3A_98, %dma_start3A_99] : memref<24576x128xf32, #tpu.memory_space<hbm>> -> memref<768x128xf32, #tpu.memory_space<hbm>>
    %dma_start3A_101 = arith.constant 0 : i32
    %dma_start3A_102 = tpu.memref_slice %arg5[%mul3A_98, %dma_start3A_101] : memref<24576x128xf32, #tpu.memory_space<hbm>> -> memref<768x128xf32, #tpu.memory_space<hbm>>
    tpu.enqueue_dma source(%arg7 : memref<768x128xf32, #tpu.memory_space<vmem>>) target(%dma_start3A_102 : memref<768x128xf32, #tpu.memory_space<hbm>>) target_semaphore(%arg9 : memref<!tpu.dma_semaphore, #tpu.memory_space<semaphore_mem>>)
    %dma_wait3A_103 = arith.constant 0 : i32
    %dma_wait3A_104 = tpu.memref_slice %arg5[%mul3A_98, %dma_wait3A_103] : memref<24576x128xf32, #tpu.memory_space<hbm>> -> memref<768x128xf32, #tpu.memory_space<hbm>>
    %dma_wait3A_105 = arith.constant 0 : i32
    %dma_wait3A_106 = tpu.memref_slice %arg5[%mul3A_98, %dma_wait3A_105] : memref<24576x128xf32, #tpu.memory_space<hbm>> -> memref<768x128xf32, #tpu.memory_space<hbm>>
    tpu.wait_dma2 semaphore(%arg9 : memref<!tpu.dma_semaphore, #tpu.memory_space<semaphore_mem>>) src(%arg7 : memref<768x128xf32, #tpu.memory_space<vmem>>) dst(%dma_wait3A_106 : memref<768x128xf32, #tpu.memory_space<hbm>>)
    return
  }
}

module attributes {stable_mosaic.version = 14 : i64} {
  func.func @_tc_loss(%arg0: i32, %arg1: memref<4x4x128x128xf32, #tpu.memory_space<vmem>>, %arg2: memref<4x4x128x128xf32, #tpu.memory_space<vmem>>, %arg3: memref<4x4x128x128xf32, #tpu.memory_space<vmem>>, %arg4: memref<4x4x128x128xf32, #tpu.memory_space<vmem>>, %arg5: memref<8x2x128x128xf32, #tpu.memory_space<vmem>>, %arg6: memref<8x2x128x128xf32, #tpu.memory_space<vmem>>, %arg7: memref<1x1xf32, #tpu.memory_space<vmem>>) attributes {dimension_semantics = [#tpu.dimension_semantics<arbitrary>], iteration_bounds = array<i64: 2>, scalar_prefetch = 0 : i64, scratch_operands = 0 : i64, tpu.core_type = #tpu.core_type<tc>, window_params = [{transform_indices = @transform_0, window_bounds = array<i64: 4, 4, 128, 128>}, {transform_indices = @transform_1, window_bounds = array<i64: 4, 4, 128, 128>}, {transform_indices = @transform_2, window_bounds = array<i64: 4, 4, 128, 128>}, {transform_indices = @transform_3, window_bounds = array<i64: 4, 4, 128, 128>}, {transform_indices = @transform_4, window_bounds = array<i64: 8, 2, 128, 128>}, {transform_indices = @transform_5, window_bounds = array<i64: 8, 2, 128, 128>}, {pipeline_mode = #tpu.pipeline_mode<synchronous>, transform_indices = @transform_6, window_bounds = array<i64: 1, 1>}]} {
    %get3A = arith.constant 0 : index
    %get3A_0 = arith.constant 0 : index
    %get3A_1 = arith.constant 0 : index
    %get3A_2 = arith.constant 0 : index
    %get3A_3 = vector.load %arg1[%get3A, %get3A_0, %get3A_1, %get3A_2] : memref<4x4x128x128xf32, #tpu.memory_space<vmem>>, vector<4x4x128x128xf32>
    %reshape3A = vector.shape_cast %get3A_3 : vector<4x4x128x128xf32> to vector<2048x128xf32>
    %get3A_4 = arith.constant 0 : index
    %get3A_5 = arith.constant 0 : index
    %get3A_6 = arith.constant 0 : index
    %get3A_7 = arith.constant 0 : index
    %get3A_8 = vector.load %arg2[%get3A_4, %get3A_5, %get3A_6, %get3A_7] : memref<4x4x128x128xf32, #tpu.memory_space<vmem>>, vector<4x4x128x128xf32>
    %reshape3A_9 = vector.shape_cast %get3A_8 : vector<4x4x128x128xf32> to vector<2048x128xf32>
    %get3A_10 = arith.constant 0 : index
    %get3A_11 = arith.constant 0 : index
    %get3A_12 = arith.constant 0 : index
    %get3A_13 = arith.constant 0 : index
    %get3A_14 = vector.load %arg3[%get3A_10, %get3A_11, %get3A_12, %get3A_13] : memref<4x4x128x128xf32, #tpu.memory_space<vmem>>, vector<4x4x128x128xf32>
    %reshape3A_15 = vector.shape_cast %get3A_14 : vector<4x4x128x128xf32> to vector<2048x128xf32>
    %get3A_16 = arith.constant 0 : index
    %get3A_17 = arith.constant 0 : index
    %get3A_18 = arith.constant 0 : index
    %get3A_19 = arith.constant 0 : index
    %get3A_20 = vector.load %arg4[%get3A_16, %get3A_17, %get3A_18, %get3A_19] : memref<4x4x128x128xf32, #tpu.memory_space<vmem>>, vector<4x4x128x128xf32>
    %reshape3A_21 = vector.shape_cast %get3A_20 : vector<4x4x128x128xf32> to vector<2048x128xf32>
    %get3A_22 = arith.constant 0 : index
    %get3A_23 = arith.constant 0 : index
    %get3A_24 = arith.constant 0 : index
    %get3A_25 = arith.constant 0 : index
    %get3A_26 = vector.load %arg5[%get3A_22, %get3A_23, %get3A_24, %get3A_25] : memref<8x2x128x128xf32, #tpu.memory_space<vmem>>, vector<8x2x128x128xf32>
    %reshape3A_27 = vector.shape_cast %get3A_26 : vector<8x2x128x128xf32> to vector<2048x128xf32>
    %get3A_28 = arith.constant 0 : index
    %get3A_29 = arith.constant 0 : index
    %get3A_30 = arith.constant 0 : index
    %get3A_31 = arith.constant 0 : index
    %get3A_32 = vector.load %arg6[%get3A_28, %get3A_29, %get3A_30, %get3A_31] : memref<8x2x128x128xf32, #tpu.memory_space<vmem>>, vector<8x2x128x128xf32>
    %reshape3A_33 = vector.shape_cast %get3A_32 : vector<8x2x128x128xf32> to vector<2048x128xf32>
    %mul3A = arith.mulf %reshape3A, %reshape3A : vector<2048x128xf32>
    %reduce_sum3A = arith.constant dense<0.000000e+00> : vector<2048xf32>
    %reduce_sum3A_34 = vector.multi_reduction <add>, %mul3A, %reduce_sum3A [1] : vector<2048x128xf32> to vector<2048xf32>
    %max3A = arith.constant 1.000000e-24 : f32
    %max3A_35 = vector.broadcast %max3A : f32 to vector<2048xf32>
    %max3A_36 = arith.maximumf %reduce_sum3A_34, %max3A_35 : vector<2048xf32>
    %rsqrt3A = math.rsqrt %max3A_36 : vector<2048xf32>
    %broadcast_in_dim3A = vector.shape_cast %rsqrt3A : vector<2048xf32> to vector<2048x1xf32>
    %mul3A_37 = vector.broadcast %broadcast_in_dim3A : vector<2048x1xf32> to vector<2048x128xf32>
    %mul3A_38 = arith.mulf %reshape3A, %mul3A_37 : vector<2048x128xf32>
    %mul3A_39 = arith.mulf %reshape3A_27, %reshape3A_27 : vector<2048x128xf32>
    %reduce_sum3A_40 = arith.constant dense<0.000000e+00> : vector<2048xf32>
    %reduce_sum3A_41 = vector.multi_reduction <add>, %mul3A_39, %reduce_sum3A_40 [1] : vector<2048x128xf32> to vector<2048xf32>
    %max3A_42 = arith.constant 1.000000e-24 : f32
    %max3A_43 = vector.broadcast %max3A_42 : f32 to vector<2048xf32>
    %max3A_44 = arith.maximumf %reduce_sum3A_41, %max3A_43 : vector<2048xf32>
    %rsqrt3A_45 = math.rsqrt %max3A_44 : vector<2048xf32>
    %broadcast_in_dim3A_46 = vector.shape_cast %rsqrt3A_45 : vector<2048xf32> to vector<2048x1xf32>
    %mul3A_47 = vector.broadcast %broadcast_in_dim3A_46 : vector<2048x1xf32> to vector<2048x128xf32>
    %mul3A_48 = arith.mulf %reshape3A_27, %mul3A_47 : vector<2048x128xf32>
    %add3A = arith.addf %mul3A_38, %mul3A_48 : vector<2048x128xf32>
    %mul3A_49 = arith.mulf %reshape3A_9, %reshape3A_9 : vector<2048x128xf32>
    %reduce_sum3A_50 = arith.constant dense<0.000000e+00> : vector<2048xf32>
    %reduce_sum3A_51 = vector.multi_reduction <add>, %mul3A_49, %reduce_sum3A_50 [1] : vector<2048x128xf32> to vector<2048xf32>
    %max3A_52 = arith.constant 1.000000e-24 : f32
    %max3A_53 = vector.broadcast %max3A_52 : f32 to vector<2048xf32>
    %max3A_54 = arith.maximumf %reduce_sum3A_51, %max3A_53 : vector<2048xf32>
    %rsqrt3A_55 = math.rsqrt %max3A_54 : vector<2048xf32>
    %broadcast_in_dim3A_56 = vector.shape_cast %rsqrt3A_55 : vector<2048xf32> to vector<2048x1xf32>
    %mul3A_57 = vector.broadcast %broadcast_in_dim3A_56 : vector<2048x1xf32> to vector<2048x128xf32>
    %mul3A_58 = arith.mulf %reshape3A_9, %mul3A_57 : vector<2048x128xf32>
    %sub3A = arith.subf %add3A, %mul3A_58 : vector<2048x128xf32>
    %mul3A_59 = arith.mulf %reshape3A_15, %reshape3A_15 : vector<2048x128xf32>
    %reduce_sum3A_60 = arith.constant dense<0.000000e+00> : vector<2048xf32>
    %reduce_sum3A_61 = vector.multi_reduction <add>, %mul3A_59, %reduce_sum3A_60 [1] : vector<2048x128xf32> to vector<2048xf32>
    %max3A_62 = arith.constant 1.000000e-24 : f32
    %max3A_63 = vector.broadcast %max3A_62 : f32 to vector<2048xf32>
    %max3A_64 = arith.maximumf %reduce_sum3A_61, %max3A_63 : vector<2048xf32>
    %rsqrt3A_65 = math.rsqrt %max3A_64 : vector<2048xf32>
    %broadcast_in_dim3A_66 = vector.shape_cast %rsqrt3A_65 : vector<2048xf32> to vector<2048x1xf32>
    %mul3A_67 = vector.broadcast %broadcast_in_dim3A_66 : vector<2048x1xf32> to vector<2048x128xf32>
    %mul3A_68 = arith.mulf %reshape3A_15, %mul3A_67 : vector<2048x128xf32>
    %mul3A_69 = arith.mulf %reshape3A_33, %reshape3A_33 : vector<2048x128xf32>
    %reduce_sum3A_70 = arith.constant dense<0.000000e+00> : vector<2048xf32>
    %reduce_sum3A_71 = vector.multi_reduction <add>, %mul3A_69, %reduce_sum3A_70 [1] : vector<2048x128xf32> to vector<2048xf32>
    %max3A_72 = arith.constant 1.000000e-24 : f32
    %max3A_73 = vector.broadcast %max3A_72 : f32 to vector<2048xf32>
    %max3A_74 = arith.maximumf %reduce_sum3A_71, %max3A_73 : vector<2048xf32>
    %rsqrt3A_75 = math.rsqrt %max3A_74 : vector<2048xf32>
    %broadcast_in_dim3A_76 = vector.shape_cast %rsqrt3A_75 : vector<2048xf32> to vector<2048x1xf32>
    %mul3A_77 = vector.broadcast %broadcast_in_dim3A_76 : vector<2048x1xf32> to vector<2048x128xf32>
    %mul3A_78 = arith.mulf %reshape3A_33, %mul3A_77 : vector<2048x128xf32>
    %add3A_79 = arith.addf %mul3A_68, %mul3A_78 : vector<2048x128xf32>
    %mul3A_80 = arith.mulf %reshape3A_21, %reshape3A_21 : vector<2048x128xf32>
    %reduce_sum3A_81 = arith.constant dense<0.000000e+00> : vector<2048xf32>
    %reduce_sum3A_82 = vector.multi_reduction <add>, %mul3A_80, %reduce_sum3A_81 [1] : vector<2048x128xf32> to vector<2048xf32>
    %max3A_83 = arith.constant 1.000000e-24 : f32
    %max3A_84 = vector.broadcast %max3A_83 : f32 to vector<2048xf32>
    %max3A_85 = arith.maximumf %reduce_sum3A_82, %max3A_84 : vector<2048xf32>
    %rsqrt3A_86 = math.rsqrt %max3A_85 : vector<2048xf32>
    %broadcast_in_dim3A_87 = vector.shape_cast %rsqrt3A_86 : vector<2048xf32> to vector<2048x1xf32>
    %mul3A_88 = vector.broadcast %broadcast_in_dim3A_87 : vector<2048x1xf32> to vector<2048x128xf32>
    %mul3A_89 = arith.mulf %reshape3A_21, %mul3A_88 : vector<2048x128xf32>
    %sub3A_90 = arith.subf %add3A_79, %mul3A_89 : vector<2048x128xf32>
    %mul3A_91 = arith.mulf %sub3A, %sub3A : vector<2048x128xf32>
    %reduce_sum3A_92 = arith.constant dense<0.000000e+00> : vector<2048xf32>
    %reduce_sum3A_93 = vector.multi_reduction <add>, %mul3A_91, %reduce_sum3A_92 [1] : vector<2048x128xf32> to vector<2048xf32>
    %max3A_94 = arith.constant 1.000000e-30 : f32
    %max3A_95 = vector.broadcast %max3A_94 : f32 to vector<2048xf32>
    %max3A_96 = arith.maximumf %reduce_sum3A_93, %max3A_95 : vector<2048xf32>
    %mul3A_97 = arith.mulf %sub3A_90, %sub3A_90 : vector<2048x128xf32>
    %reduce_sum3A_98 = arith.constant dense<0.000000e+00> : vector<2048xf32>
    %reduce_sum3A_99 = vector.multi_reduction <add>, %mul3A_97, %reduce_sum3A_98 [1] : vector<2048x128xf32> to vector<2048xf32>
    %max3A_100 = arith.constant 1.000000e-30 : f32
    %max3A_101 = vector.broadcast %max3A_100 : f32 to vector<2048xf32>
    %max3A_102 = arith.maximumf %reduce_sum3A_99, %max3A_101 : vector<2048xf32>
    %rsqrt3A_103 = math.rsqrt %max3A_96 : vector<2048xf32>
    %mul3A_104 = arith.mulf %max3A_96, %rsqrt3A_103 : vector<2048xf32>
    %rsqrt3A_105 = math.rsqrt %max3A_102 : vector<2048xf32>
    %mul3A_106 = arith.mulf %max3A_102, %rsqrt3A_105 : vector<2048xf32>
    %add3A_107 = arith.constant 1.000000e+00 : f32
    %add3A_108 = vector.broadcast %add3A_107 : f32 to vector<2048xf32>
    %add3A_109 = arith.addf %add3A_108, %mul3A_104 : vector<2048xf32>
    %sub3A_110 = arith.subf %add3A_109, %mul3A_106 : vector<2048xf32>
    %max3A_111 = arith.constant 0.000000e+00 : f32
    %max3A_112 = vector.broadcast %max3A_111 : f32 to vector<2048xf32>
    %max3A_113 = arith.maximumf %sub3A_110, %max3A_112 : vector<2048xf32>
    %reduce_sum3A_114 = vector.shape_cast %max3A_113 : vector<2048xf32> to vector<1x2048xf32>
    %reduce_sum3A_115 = arith.constant dense<0.000000e+00> : vector<1xf32>
    %reduce_sum3A_116 = vector.multi_reduction <add>, %reduce_sum3A_114, %reduce_sum3A_115 [1] : vector<1x2048xf32> to vector<1xf32>
    %reduce_sum3A_117 = vector.shape_cast %reduce_sum3A_116 : vector<1xf32> to vector<1x1xf32>
    %reduce_sum3A_118 = vector.extract %reduce_sum3A_117[0, 0] : f32 from vector<1x1xf32>
    %eq3A = arith.constant 0 : i32
    %eq3A_119 = arith.cmpi eq, %arg0, %eq3A : i32
    %convert_element_type3A = arith.extui %eq3A_119 : i1 to i32
    %cond3A = arith.constant 0 : i32
    %cond3A_120 = arith.cmpi ne, %convert_element_type3A, %cond3A : i32
    scf.if %cond3A_120 {
      %broadcast_in_dim3A_133 = arith.constant 0.000000e+00 : f32
      %broadcast_in_dim3A_134 = vector.broadcast %broadcast_in_dim3A_133 : f32 to vector<1x1xf32>
      %swap3A_135 = arith.constant 0 : index
      %swap3A_136 = arith.constant 0 : index
      %swap3A_137 = vector.load %arg7[%swap3A_135, %swap3A_136] : memref<1x1xf32, #tpu.memory_space<vmem>>, vector<1x1xf32>
      tpu.vector_store %arg7[%swap3A_135, %swap3A_136], %broadcast_in_dim3A_134 {strides = array<i32>} : memref<1x1xf32, #tpu.memory_space<vmem>>, vector<1x1xf32>,
    } else {
    }
    %get3A_121 = arith.constant 0 : index
    %get3A_122 = arith.constant 0 : index
    %get3A_123 = vector.load %arg7[%get3A_121, %get3A_122] : memref<1x1xf32, #tpu.memory_space<vmem>>, vector<1x1xf32>
    %reshape3A_124 = vector.broadcast %reduce_sum3A_118 : f32 to vector<1x1xf32>
    %add3A_125 = arith.addf %get3A_123, %reshape3A_124 : vector<1x1xf32>
    %swap3A = arith.constant 0 : index
    %swap3A_126 = arith.constant 0 : index
    %swap3A_127 = vector.load %arg7[%swap3A, %swap3A_126] : memref<1x1xf32, #tpu.memory_space<vmem>>, vector<1x1xf32>
    tpu.vector_store %arg7[%swap3A, %swap3A_126], %add3A_125 {strides = array<i32>} : memref<1x1xf32, #tpu.memory_space<vmem>>, vector<1x1xf32>,
    %eq3A_128 = arith.constant 1 : i32
    %eq3A_129 = arith.cmpi eq, %arg0, %eq3A_128 : i32
    %convert_element_type3A_130 = arith.extui %eq3A_129 : i1 to i32
    %cond3A_131 = arith.constant 0 : i32
    %cond3A_132 = arith.cmpi ne, %convert_element_type3A_130, %cond3A_131 : i32
    scf.if %cond3A_132 {
      %get3A_133 = arith.constant 0 : index
      %get3A_134 = arith.constant 0 : index
      %get3A_135 = vector.load %arg7[%get3A_133, %get3A_134] : memref<1x1xf32, #tpu.memory_space<vmem>>, vector<1x1xf32>
      %mul3A_136 = arith.constant 2.44140625E-4 : f32
      %mul3A_137 = vector.broadcast %mul3A_136 : f32 to vector<1x1xf32>
      %mul3A_138 = arith.mulf %get3A_135, %mul3A_137 : vector<1x1xf32>
      %swap3A_139 = arith.constant 0 : index
      %swap3A_140 = arith.constant 0 : index
      %swap3A_141 = vector.load %arg7[%swap3A_139, %swap3A_140] : memref<1x1xf32, #tpu.memory_space<vmem>>, vector<1x1xf32>
      tpu.vector_store %arg7[%swap3A_139, %swap3A_140], %mul3A_138 {strides = array<i32>} : memref<1x1xf32, #tpu.memory_space<vmem>>, vector<1x1xf32>,
    } else {
    }
    return
  }
  func.func @transform_0(%arg0: i32) -> (i32, i32, i32, i32) {
    %add3A = arith.constant 0 : i32
    %add3A_0 = arith.addi %add3A, %arg0 : i32
    %c0_i32 = arith.constant 0 : i32
    %c0_i32_1 = arith.constant 0 : i32
    %c0_i32_2 = arith.constant 0 : i32
    %c0_i32_3 = arith.constant 0 : i32
    return %add3A_0, %c0_i32, %c0_i32_1, %c0_i32_2 : i32, i32, i32, i32
  }
  func.func @transform_1(%arg0: i32) -> (i32, i32, i32, i32) {
    %add3A = arith.constant 2 : i32
    %add3A_0 = arith.addi %add3A, %arg0 : i32
    %c0_i32 = arith.constant 0 : i32
    %c0_i32_1 = arith.constant 0 : i32
    %c0_i32_2 = arith.constant 0 : i32
    %c0_i32_3 = arith.constant 0 : i32
    return %add3A_0, %c0_i32, %c0_i32_1, %c0_i32_2 : i32, i32, i32, i32
  }
  func.func @transform_2(%arg0: i32) -> (i32, i32, i32, i32) {
    %add3A = arith.constant 4 : i32
    %add3A_0 = arith.addi %add3A, %arg0 : i32
    %c0_i32 = arith.constant 0 : i32
    %c0_i32_1 = arith.constant 0 : i32
    %c0_i32_2 = arith.constant 0 : i32
    %c0_i32_3 = arith.constant 0 : i32
    return %add3A_0, %c0_i32, %c0_i32_1, %c0_i32_2 : i32, i32, i32, i32
  }
  func.func @transform_3(%arg0: i32) -> (i32, i32, i32, i32) {
    %add3A = arith.constant 6 : i32
    %add3A_0 = arith.addi %add3A, %arg0 : i32
    %c0_i32 = arith.constant 0 : i32
    %c0_i32_1 = arith.constant 0 : i32
    %c0_i32_2 = arith.constant 0 : i32
    %c0_i32_3 = arith.constant 0 : i32
    return %add3A_0, %c0_i32, %c0_i32_1, %c0_i32_2 : i32, i32, i32, i32
  }
  func.func @transform_4(%arg0: i32) -> (i32, i32, i32, i32) {
    %add3A = arith.constant 0 : i32
    %add3A_0 = arith.addi %add3A, %arg0 : i32
    %c2_i32 = arith.constant 2 : i32
    %c0_i32 = arith.constant 0 : i32
    %c0_i32_1 = arith.constant 0 : i32
    %c0_i32_2 = arith.constant 0 : i32
    return %add3A_0, %c2_i32, %c0_i32, %c0_i32_1 : i32, i32, i32, i32
  }
  func.func @transform_5(%arg0: i32) -> (i32, i32, i32, i32) {
    %add3A = arith.constant 2 : i32
    %add3A_0 = arith.addi %add3A, %arg0 : i32
    %c2_i32 = arith.constant 2 : i32
    %c0_i32 = arith.constant 0 : i32
    %c0_i32_1 = arith.constant 0 : i32
    %c0_i32_2 = arith.constant 0 : i32
    return %add3A_0, %c2_i32, %c0_i32, %c0_i32_1 : i32, i32, i32, i32
  }
  func.func @transform_6(%arg0: i32) -> (i32, i32) {
    %c0_i32 = arith.constant 0 : i32
    %c0_i32_0 = arith.constant 0 : i32
    %c0_i32_1 = arith.constant 0 : i32
    return %c0_i32, %c0_i32_0 : i32, i32
  }
}

</mosaic_0001>

<sc_bundles>
// kernel: kernel.4.cloned.1.call-start
scs
__scs_entry_jumppad:
0x0: {  	(pc) =	sbr.rel $0x88, $3  }
0x1: {  	(tag) =	ssettag $0x0;
	lr =	simm.s32 $0x1  }
0x2: {  	[smem:$0x3F9D] =	sst lr;
	_ =	strace $0xD0000000  }
0x3: {  	_ = 	snop  }
0x4: {  	_ = 	snop  }
0x5: {  	_ = 	snop  }
0x6: {  	_ = 	snop  }
0x7: {  	_ = 	snop  }
__scs_overlays_trampoline_lowered:
0x8: {  	[smem:$0x3FAC] =	sst s0  }
0x9: {  	[smem:$0x3FAD] =	sst s1  }
0xa: {  	[smem:$0x3FAE] =	sst s2  }
0xb: {  	[smem:$0x3FAF] =	sst s3  }
0xc: {  	[smem:$0x3FB0] =	sst s4  }
0xd: {  	[smem:$0x3FB1] =	sst s5  }
0xe: {  	[smem:$0x3FB2] =	sst s6  }
0xf: {  	[smem:$0x3FB3] =	sst s7  }
0x10: {  	[smem:$0x3FB4] =	sst s8  }
0x11: {  	[smem:$0x3FB5] =	sst s9;
	s0 =	simm.s32 @!p0 $0x0  }
0x12: {  	s1 =	sld [smem:$0x3F9B];
	s0 =	simm.s32 @p0 $0x1  }
0x13: {  	[smem:$0x3FB6] =	sst s0;
	s0 =	simm.s32 @!p1 $0x0  }
0x14: {  	s2 =	sld [smem:$0x3F9A];
	s0 =	simm.s32 @p1 $0x1  }
0x15: {  	[smem:$0x3FB7] =	sst s0;
	s0 =	simm.s32 @!p2 $0x0  }
0x16: {  	s3 =	sld [smem:$0x3FDB];
	s0 =	simm.s32 @p2 $0x1  }
0x17: {  	s4 =	simm.s32 $0x1BF5;
	[smem:$0x3FB9] =	sst s0  }
0x18: {  	s0 =	sld [smem:$0x3F9C];
	_ =	swait.ge [sflag:s4], $0x0  }
0x19: {  	s7 =	sld [smem:$0x3F9D]  }
0x1a: {  	s8 =	sadd.s32 $0xFFFFE003, lr  }
0x1b: {  	s9 =	sadd.s32 $0xFFFFFEF7, lr;
	s5 =	simm.s32 $0xFFFFFFFF;
	p2 =	slt.u32 s8, $0xFFFFF086  }
0x1c: {  	p1 =	slt.u32 s9, $0xF7A;
	s5 =	simm.s32 @!p2 $0x0  }
0x1d: {  	s5 =	simm.s32 @p1 $0x1;
	p0 =	seq.s32 s7, s2  }
0x1e: {  	s7 =	smul.u32 @!p0 $0xF7A, s2;
	p2 =	seq.s32 @!p0 s5, $0x0  }
0x1f: {  	s9 =	smul.u32 $0xF7A, s1;
	s8 =	simm.s32 @!p0 $0x1BF5;
	p2 =	por !p2, p0  }
0x20: {  	[sflag:s8] =	ssyncset.s32 @!p0 $0xFFFFF086;
	s6 =	sadd.s32 @!p0 s3, s7;
	s7 =	simm.s32 @!p0 $0x108  }
0x21: {  	s3 =	sadd.s32 s3, s9;
	s6 =	sadd.s32 @!p0 $0x88, s6;
	s7 =	simm.s32 @p2 $0x1082  }
0x22: {  	[simem:s7], [sflag:s8] =	dma.local @!p0 [hbm:s6], $0xF7A  }
0x23: {  	s9 =	sor.u32 $0xD0000000, s2;
	s6 =	simm.s32 $0x108;
	_ =	swait.ge @!p0 [sflag:s8], $0x0  }
0x24: {  	s3 =	sadd.s32 $0x88, s3;
	s6 =	simm.s32 @!p1 $0x1082;
	[sflag:s4] =	ssyncset.s32 $0xFFFFF086  }
0x25: {  	[simem:s6], [sflag:s4] =	dma.local [hbm:s3], $0xF7A  }
0x26: {  	[smem:$0x3F9D] =	sst s1;
	(tag) =	ssettag s2;
	_ =	strace s9  }
0x27: {  	s1 =	sld [smem:$0x3FAD]  }
0x28: {  	s2 =	sld [smem:$0x3FAE]  }
0x29: {  	s4 =	sld [smem:$0x3FB0]  }
0x2a: {  	p0 =	seq.s32 s5, $0x0;
	s5 =	sld [smem:$0x3FB1]  }
0x2b: {  	s6 =	sld [smem:$0x3FB2]  }
0x2c: {  	s7 =	sld [smem:$0x3FB3]  }
0x2d: {  	s3 =	simm.s32 $0x108;
	s8 =	sld [smem:$0x3FB4]  }
0x2e: {  	s3 =	simm.s32 @!p0 $0x1082;
	s9 =	sld [smem:$0x3FB5]  }
0x2f: {  	lr =	sadd.s32 s0, s3;
	s0 =	sld [smem:$0x3FAC]  }
0x30: {  	s3 =	sld [smem:$0x3FAF]  }
0x31: {  	[smem:$0x3FB8] =	sst s10  }
0x32: {  	s10 =	sld [smem:$0x3FB6];
	_ =	sdelay $0x3  }
0x33: {  	p0 =	seq.s32 s10, $0x1;
	s10 =	sld [smem:$0x3FB8];
	_ =	sdelay $0x3  }
0x34: {  	[smem:$0x3FB8] =	sst s10  }
0x35: {  	s10 =	sld [smem:$0x3FB7];
	_ =	sdelay $0x3  }
0x36: {  	p1 =	seq.s32 s10, $0x1;
	s10 =	sld [smem:$0x3FB8];
	_ =	sdelay $0x3  }
0x37: {  	[smem:$0x3FB8] =	sst s10  }
0x38: {  	s10 =	sld [smem:$0x3FB9]  }
0x39: {  	_ = 	snop;
	(pc) =	sbr.ind lr, $3  }
0x3a: {  	_ = 	snop  }
0x3b: {  	_ = 	snop  }
0x3c: {  	p2 =	seq.s32 s10, $0x1;
	s10 =	sld [smem:$0x3FB8]  }
0x3d: {  	_ =	shalt  }
0x3e: {  	_ =	shalt  }
0x3f: {  	_ =	shalt  }
0x40: {  	_ =	shalt  }
0x41: {  	_ =	shalt  }
0x42: {  	_ =	shalt  }
0x43: {  	_ =	shalt  }
0x44: {  	_ =	shalt  }
0x45: {  	_ =	shalt  }
0x46: {  	_ =	shalt  }
0x47: {  	_ =	shalt  }
0x48: {  	_ =	shalt  }
0x49: {  	_ =	shalt  }
0x4a: {  	_ =	shalt  }
0x4b: {  	_ =	shalt  }
0x4c: {  	_ =	shalt  }
0x4d: {  	_ =	shalt  }
0x4e: {  	_ =	shalt  }
0x4f: {  	_ =	shalt  }
0x50: {  	_ =	shalt  }
0x51: {  	_ =	shalt  }
0x52: {  	_ =	shalt  }
0x53: {  	_ =	shalt  }
0x54: {  	_ =	shalt  }
0x55: {  	_ =	shalt  }
0x56: {  	_ =	shalt  }
0x57: {  	_ =	shalt  }
0x58: {  	_ =	shalt  }
0x59: {  	_ =	shalt  }
0x5a: {  	_ =	shalt  }
0x5b: {  	_ =	shalt  }
0x5c: {  	_ =	shalt  }
0x5d: {  	_ =	shalt  }
0x5e: {  	_ =	shalt  }
0x5f: {  	_ =	shalt  }
0x60: {  	_ =	shalt  }
0x61: {  	_ =	shalt  }
0x62: {  	_ =	shalt  }
0x63: {  	_ =	shalt  }
0x64: {  	_ =	shalt  }
0x65: {  	_ =	shalt  }
0x66: {  	_ =	shalt  }
0x67: {  	_ =	shalt  }
0x68: {  	_ =	shalt  }
0x69: {  	_ =	shalt  }
0x6a: {  	_ =	shalt  }
0x6b: {  	_ =	shalt  }
0x6c: {  	_ =	shalt  }
0x6d: {  	_ =	shalt  }
0x6e: {  	_ =	shalt  }
0x6f: {  	_ =	shalt  }
0x70: {  	_ =	shalt  }
0x71: {  	_ =	shalt  }
0x72: {  	_ =	shalt  }
0x73: {  	_ =	shalt  }
0x74: {  	_ =	shalt  }
0x75: {  	_ =	shalt  }
0x76: {  	_ =	shalt  }
0x77: {  	_ =	shalt  }
0x78: {  	_ =	shalt  }
0x79: {  	_ =	shalt  }
0x7a: {  	_ =	shalt  }
0x7b: {  	_ =	shalt  }
0x7c: {  	_ =	shalt  }
0x7d: {  	_ =	shalt  }
0x7e: {  	_ =	shalt  }
0x7f: {  	_ =	shalt  }
0x80: {  	_ =	shalt  }
0x81: {  	_ =	shalt  }
0x82: {  	_ =	shalt  }
0x83: {  	_ =	shalt  }
0x84: {  	_ =	shalt  }
0x85: {  	_ =	shalt  }
0x86: {  	_ =	shalt  }
0x87: {  	_ =	shalt  }
.Lfunc_end0:
.L_simem_size_0:
called_computation_lowered:
.L_overlay_start_0:
0x88: {  	s2 =	sld [smem:$0x3FD9]  }
0x89: {  	s3 =	sld [smem:$0x3FFE];
	_ =	sdelay $0x1  }
0x8a: {  	s1 =	srdreg.scid  }
0x8b: {  	s0 =	sand.u32 $0x1, s1  }
0x8c: {  	s17 =	sshll.u32 s0, $0xA;
	s2 =	sadd.s32 s3, s2  }
0x8d: {  	s2 =	sadd.s32 s2, s17  }
0x8e: {  	[smem:$0x3FC4] =	sst s2  }
0x8f: {  	_ = 	snop  }
0x90: {  	s2 =	sld [smem:$0x3FC7]  }
0x91: {  	s18 =	sld [smem:$0x3FC6];
	(tm) =	ssettm $0x1  }
0x92: {  	s4 =	sld [smem:$0x3FFB];
	_ =	sdelay $0x3  }
0x93: {  	_ =	strace s4  }
0x94: {  	s4 =	sld [smem:$0x3FFC];
	_ =	sdelay $0x3  }
0x95: {  	_ =	strace s4  }
0x96: {  	s4 =	sld [smem:$0x3FFD];
	_ =	sdelay $0x3  }
0x97: {  	_ =	strace s4  }
0x98: {  	_ =	strace $0x8FFFFFFF  }
0x99: {  	s19 =	sld [smem:$0x3FDB];
	_ =	sdelay $0x1  }
0x9a: {  	s5 =	simm.s32 $_scs_section_size  }
0x9b: {  	s6 =	simm.s32 $_size__tile_overlayer_lowered;
	s7 =	simm.s32 $_tile_overlayer_lowered  }
0x9c: {  	s22 =	simm.s32 $0x1BFF;
	s21 =	sshll.u32 s7, $0x1;
	s4 =	sadd.s32 s5, s19  }
0x9d: {  	s8 =	simm.s32 $0x0;
	s20 =	sshll.u32 s6, $0x1;
	s6 =	sadd.s32 s21, s4  }
0x9e: {  	[timem:s8], [sflag:s22] =	dma.local [hbm:s6], s20  }
0x9f: {  	_ =	swait.ge [sflag:s22], s20  }
0xa0: {  	s5 =	ssub.s32 $0x0, s20;
	[sflag:s22] =	ssyncset.done $0x0  }
0xa1: {  	[sflag:s22] =	ssyncadd.s32 s5;
	_ =	sdelay $0x1  }
0xa2: {  	s23 =	simm.s32 $0x1B8B  }
0xa3: {  	_ =	swait.ge [sflag:s23], $0x1  }
0xa4: {  	[sflag:s23] =	ssyncset.done $0x0  }
0xa5: {  	s25 =	simm.s32 $0x1B8E;
	s24 =	sld [smem:$0x3FFE];
	[sflag:s23] =	ssyncadd.s32 $0xFFFFFFFF  }
0xa6: {  	s26 =	simm.s32 $execute0_lowered;
	[smem:$0x3FD2] =	sst s25  }
0xa7: {  	s6 =	sshll.u32 s26, $0x1;
	_ =	strace $0x80000046;
	[dreg:$0x1] =	wrdreg $0xFFFFFFFF  }
0xa8: {  	s28 =	simm.s32 $_size_execute0_lowered;
	s4 =	sadd.s32 s4, s6;
	[dreg:$0x0] =	wrdreg $0x0  }
0xa9: {  	s6 =	sshll.u32 s28, $0x1;
	[dreg:$0x2] =	wrdreg s4  }
0xaa: {  	[dreg:$0x3] =	wrdreg s6  }
0xab: {  	[dreg:$0x4] =	wrdreg $0xC0  }
0xac: {  	_ =	task [dreg:s8], $0x5FFFF  }
0xad: {  	[dreg:$0x1] =	wrdreg $0xFFFFFFFF  }
0xae: {  	[dreg:$0x0] =	wrdreg $0x60  }
0xaf: {  	[dreg:$0x2] =	wrdreg s2  }
0xb0: {  	[dreg:$0x3] =	wrdreg s18  }
0xb1: {  	[dreg:$0x4] =	wrdreg s24  }
0xb2: {  	[dreg:$0x5] =	wrdreg $0x9  }
0xb3: {  	_ =	task.clear_ibuf [dreg:s8], $0x6FFFF;
	_ =	strace $0x90000046  }
0xb4: {  	s29 =	simm.s32 $0x9;
	_ =	strace $0x80000048  }
0xb5: {  	_ =	swait.ge [sflag:s29], $0x1  }
0xb6: {  	[sflag:s29] =	ssyncadd.s32 $0xFFFFFFFF  }
0xb7: {  	_ =	strace $0x90000048  }
0xb8: {  	_ =	sfence  }
0xb9: {  	s30 =	sld [smem:$0x0];
	_ =	sdelay $0x2  }
0xba: {  	s31 =	sshll.u32 s1, $0xD;
	s1 =	sshrl.u32 s1, $0x2  }
0xbb: {  	s3 =	sand.u32 $0x4000, s31;
	s1 =	sadd.s32 s1, s30  }
0xbc: {  	s0 =	sor.u32 s3, s0;
	s1 =	sshll.u32 s1, $0x11  }
0xbd: {  	s0 =	sor.u32 s1, s0  }
0xbe: {  	s0 =	sadd.s32 $0x8F2B, s0  }
0xbf: {  	[sflag:s0] =	ssyncadd.remote.s32 $0x1  }
0xc0: {  	_ =	sfence.sel $0xFFFF  }
0xc1: {  	[dreg:$0x0] =	wrdreg $0xFFFFFFFF;
	(pc) =	sbr.abs _section_cstart, $3  }
0xc2: {  	[dreg:$0x1] =	wrdreg $0xFFFFFFFF  }
0xc3: {  	_ =	task.clear_ibuf [dreg:s8], $0x2FFFF;
	_ =	strace $0x9FFFFFFF  }
0xc4: {  	(tm) =	ssettm $0x7FFFFFFF  }
0xc5: {  	_ =	shalt  }
tec
execute0_lowered:
.L_overlay_start_1:
0x0: {  	(tag) =	ssettag $0x1  }
0x1: {  	s2 =	srdreg.scid;
	s0 =	stileid.u32  }
0x2: {  	s1 =	rddreg [dreg:$0x0];
	s19 =	sand.u32 $0x1, s2;
	s30 =	sshll.u32 s0, $0x1  }
0x3: {  	s3 =	rddreg [dreg:$0x1];
	s21 =	sor.u32 s19, s30  }
0x4: {  	s20 =	rddreg [dreg:$0x2];
	s4 =	simm.s32 $0x0;
	s5 =	smul.u32 $0x60, s21  }
0x5: {  	s6 =	simm.s32 $0x3;
	[smem:$0x7FF] =	sst s4  }
0x6: {  	s2 =	rddreg [dreg:$0x3];
	_ =	strace $0x80000047;
	s5 =	sadd.s32 s20, s5  }
0x7: {  	[tilespmem:s4], [sflag:$0x3] =	stream.linear.gather [hbm4b:s5+s4], $0x300, $0x38;
	[tilespmem:$0x18300] =	vst v63  }
0x8: {  	_ =	swait.ge [sflag:s6], $0x300  }
0x9: {  	[sflag:s6] =	ssyncset.done $0x0  }
0xa: {  	s7 =	simm.s32 $0x80;
	s8 =	simm.s32 $0x300;
	[sflag:s6] =	ssyncadd.s32 $0xFFFFFD00  }
0xb: {  	[tilespmem:s8], [sflag:$0x1] =	stream.indirect.gather [hbm4b:s1+s7], $0x80, s4, s7, $0xb8;
	[tilespmem:$0x18300] =	vst v63  }
0xc: {  	s9 =	simm.s32 $0x4300  }
0xd: {  	[tilespmem:s9], [sflag:$0x1] =	stream.indirect.gather [hbm4b:s1+s7], $0x80, s7, s7, $0xb8;
	[tilespmem:$0x18300] =	vst v63  }
0xe: {  	s10 =	simm.s32 $0x100;
	s11 =	simm.s32 $0x8300  }
0xf: {  	[tilespmem:s11], [sflag:$0x1] =	stream.indirect.gather [hbm4b:s1+s7], $0x80, s10, s7, $0xb8;
	[tilespmem:$0x18300] =	vst v63  }
0x10: {  	s12 =	simm.s32 $0x180;
	s13 =	simm.s32 $0xC300  }
0x11: {  	[tilespmem:s13], [sflag:$0x1] =	stream.indirect.gather [hbm4b:s1+s7], $0x80, s12, s7, $0xb8;
	[tilespmem:$0x18300] =	vst v63  }
0x12: {  	s14 =	simm.s32 $0x200;
	s15 =	simm.s32 $0x10300  }
0x13: {  	[tilespmem:s15], [sflag:$0x1] =	stream.indirect.gather [hbm4b:s3+s7], $0x80, s14, s7, $0xb8;
	[tilespmem:$0x18300] =	vst v63  }
0x14: {  	s16 =	simm.s32 $0x280;
	s17 =	simm.s32 $0x14300;
	s18 =	simm.s32 $0x1  }
0x15: {  	[tilespmem:s17], [sflag:$0x1] =	stream.indirect.gather [hbm4b:s3+s7], $0x80, s16, s7, $0xb8;
	[tilespmem:$0x18300] =	vst v63  }
0x16: {  	_ =	swait.ge [sflag:s18], $0x4000  }
0x17: {  	[sflag:s18] =	ssyncset.done $0x0  }
0x18: {  	[sflag:s18] =	ssyncadd.s32 $0xFFFFC000  }
0x19: {  	_ =	swait.ge [sflag:s18], $0x4000  }
0x1a: {  	[sflag:s18] =	ssyncset.done $0x0  }
0x1b: {  	[sflag:s18] =	ssyncadd.s32 $0xFFFFC000  }
0x1c: {  	_ =	swait.ge [sflag:s18], $0x4000  }
0x1d: {  	[sflag:s18] =	ssyncset.done $0x0  }
0x1e: {  	[sflag:s18] =	ssyncadd.s32 $0xFFFFC000  }
0x1f: {  	_ =	swait.ge [sflag:s18], $0x4000  }
0x20: {  	[sflag:s18] =	ssyncset.done $0x0  }
0x21: {  	s19 =	ssub.s32 $0x2, s19;
	s21 =	smul.u32 $0x3000, s21;
	[sflag:s18] =	ssyncadd.s32 $0xFFFFC000  }
0x22: {  	s31 =	sshrl.u32 s19, $0x1;
	_ =	swait.ge [sflag:s18], $0x4000  }
0x23: {  	s20 =	sadd.s32 s21, s20;
	s21 =	ssub.s32 s19, s31;
	[sflag:s18] =	ssyncset.done $0x0  }
0x24: {  	s21 =	smax.u32 s21, $0x1;
	[sflag:s18] =	ssyncadd.s32 $0xFFFFC000  }
0x25: {  	p0 =	sne.s32 s21, $0x1;
	_ =	swait.ge [sflag:s18], $0x4000  }
.Ltmp0:
0x26: {  	[sflag:s18] =	ssyncset.done $0x0;
	(pc) =	sbr.rel @!p0 .LBB2_2-.Ltmp0, $4  }
0x27: {  	s19 =	sadd.s32 $0xC00, s20;
	s20 =	simm.s32 $0x2;
	[sflag:s18] =	ssyncadd.s32 $0xFFFFC000  }
0x28: {  	[hbm4b:s19+s4] =	stream.linear.scatter [tilespmem:s8], [sflag:$0x2], $0x18000, $0x38;
	[tilespmem:$0x18300] =	vst v63  }
0x29: {  	_ =	swait.ge [sflag:s20], $0x18000  }
0x2a: {  	s21 =	sadd.s32 $0xFFFFFFFF, s21;
	[sflag:s20] =	ssyncset.done $0x0  }
.LBB2_1:
0x2b: {  	p0 =	sne.s32 s21, $0x1;
	s21 =	sadd.s32 $0xFFFFFFFF, s21;
	[sflag:s20] =	ssyncadd.s32 $0xFFFE8000  }
0x2c: {  	[tilespmem:s4], [sflag:$0x3] =	stream.linear.gather [hbm4b:s5+s4], $0x300, $0x38;
	[tilespmem:$0x18300] =	vst v63  }
0x2d: {  	_ =	swait.ge [sflag:s6], $0x300  }
0x2e: {  	[sflag:s6] =	ssyncset.done $0x0  }
0x2f: {  	[sflag:s6] =	ssyncadd.s32 $0xFFFFFD00  }
0x30: {  	[tilespmem:s8], [sflag:$0x1] =	stream.indirect.gather [hbm4b:s1+s7], $0x80, s4, s7, $0xb8;
	[tilespmem:$0x18300] =	vst v63  }
0x31: {  	_ = 	snop  }
0x32: {  	[tilespmem:s9], [sflag:$0x1] =	stream.indirect.gather [hbm4b:s1+s7], $0x80, s7, s7, $0xb8;
	[tilespmem:$0x18300] =	vst v63  }
0x33: {  	_ = 	snop  }
0x34: {  	[tilespmem:s11], [sflag:$0x1] =	stream.indirect.gather [hbm4b:s1+s7], $0x80, s10, s7, $0xb8;
	[tilespmem:$0x18300] =	vst v63  }
0x35: {  	_ = 	snop  }
0x36: {  	[tilespmem:s13], [sflag:$0x1] =	stream.indirect.gather [hbm4b:s1+s7], $0x80, s12, s7, $0xb8;
	[tilespmem:$0x18300] =	vst v63  }
0x37: {  	_ = 	snop  }
0x38: {  	[tilespmem:s15], [sflag:$0x1] =	stream.indirect.gather [hbm4b:s3+s7], $0x80, s14, s7, $0xb8;
	[tilespmem:$0x18300] =	vst v63  }
0x39: {  	_ = 	snop  }
0x3a: {  	[tilespmem:s17], [sflag:$0x1] =	stream.indirect.gather [hbm4b:s3+s7], $0x80, s16, s7, $0xb8;
	[tilespmem:$0x18300] =	vst v63  }
0x3b: {  	_ =	swait.ge [sflag:s18], $0x4000  }
0x3c: {  	[sflag:s18] =	ssyncset.done $0x0  }
0x3d: {  	[sflag:s18] =	ssyncadd.s32 $0xFFFFC000  }
0x3e: {  	_ =	swait.ge [sflag:s18], $0x4000  }
0x3f: {  	[sflag:s18] =	ssyncset.done $0x0  }
0x40: {  	[sflag:s18] =	ssyncadd.s32 $0xFFFFC000  }
0x41: {  	_ =	swait.ge [sflag:s18], $0x4000  }
0x42: {  	[sflag:s18] =	ssyncset.done $0x0  }
0x43: {  	[sflag:s18] =	ssyncadd.s32 $0xFFFFC000  }
0x44: {  	_ =	swait.ge [sflag:s18], $0x4000  }
0x45: {  	[sflag:s18] =	ssyncset.done $0x0  }
0x46: {  	[sflag:s18] =	ssyncadd.s32 $0xFFFFC000  }
0x47: {  	_ =	swait.ge [sflag:s18], $0x4000  }
0x48: {  	[sflag:s18] =	ssyncset.done $0x0  }
0x49: {  	[sflag:s18] =	ssyncadd.s32 $0xFFFFC000  }
0x4a: {  	_ =	swait.ge [sflag:s18], $0x4000  }
.Ltmp1:
0x4b: {  	[sflag:s18] =	ssyncset.done $0x0;
	(pc) =	sbr.rel @p0 .LBB2_1-.Ltmp1, $4  }
0x4c: {  	[sflag:s18] =	ssyncadd.s32 $0xFFFFC000  }
0x4d: {  	[hbm4b:s19+s4] =	stream.linear.scatter [tilespmem:s8], [sflag:$0x2], $0x18000, $0x38;
	[tilespmem:$0x18300] =	vst v63  }
0x4e: {  	_ =	swait.ge [sflag:s20], $0x18000  }
0x4f: {  	[sflag:s20] =	ssyncset.done $0x0  }
.LBB2_2:
0x50: {  	[sflag:s20] =	ssyncadd.s32 $0xFFFE8000  }
0x51: {  	_ =	sfence.sel $0x180000  }
0x52: {  	[bflag:$0x0] =	sbarrier.arrive $0xFFFF  }
0x53: {  	p0 =	sne.s32 s0, $0x0;
	_ =	strace $0x90000047  }
0x54: {  	s0 =	sadd.s32 @!p0 $0x100000, s2;
	[bflag:$0x2] =	sbarrier.arrive $0xFFFF  }
0x55: {  	[sflag:s0] =	ssyncadd.tile.s32 @!p0 $0x1;
	_ =	shalt  }
.Lfunc_end2:
_tile_overlayer_lowered:
.L_overlay_start_2:
0x56: {  	(tag) =	ssettag $0x2  }
0x57: {  	s0 =	rddreg [dreg:$0x0];
	s2 =	stileid.u32  }
0x58: {  	s1 =	rddreg [dreg:$0x1];
	p0 =	sne.s32 s2, $0x0  }
0x59: {  	s3 =	rddreg [dreg:$0x2];
	[bflag:$0x3] =	sbarrier.arrive $0xFFFF;
	s2 =	simm.s32 @!p0 $0x1C03  }
0x5a: {  	[timem:s3], [sflag:s2] =	dma.local @!p0 [hbm:s0], s1  }
0x5b: {  	s0 =	simm.s32 @!p0 $0x3  }
0x5c: {  	_ =	swait.ge @!p0 [sflag:s0], s1  }
0x5d: {  	s1 =	ssub.s32 @!p0 $0x0, s1;
	[sflag:s0] =	ssyncset.done @!p0 $0x0  }
0x5e: {  	[sflag:s0] =	ssyncadd.s32 @!p0 s1  }
0x5f: {  	[bflag:$0x3] =	sbarrier.arrive $0xFFFF  }
0x60: {  	_ =	shalt  }

</sc_bundles>
